<compile_context>
chip_gen: v7x
topology: tpu7x:2x2x1
jax: 0.10.2.dev20260603
libtpu: 0.0.44.dev20260713+nightly
codegen_flags: <defaults>
</compile_context>

<pallas_src>
import dataclasses
import functools

import jax
import jax.numpy as jnp
from jax import lax
from jax.experimental import pallas as pl
from jax.experimental.pallas import tpu as pltpu
from jax.experimental.pallas import tpu_sc as plsc

N = 10000
E = 320000
D = 128

NUM_CORES = 2
NUM_SUBCORES = 16
NUM_WORKERS = NUM_CORES * NUM_SUBCORES
NPAD = 10240
LANES = 16
BLK = 5120

CHUNK = 128
NCHUNKS = E // CHUNK
CHUNKS_LO = NCHUNKS // NUM_WORKERS
CHUNKS_HI = CHUNKS_LO + 1
NUM_HI = NCHUNKS - CHUNKS_LO * NUM_WORKERS
EPW_HI = CHUNKS_HI * CHUNK
EPW_LO = CHUNKS_LO * CHUNK


def _sc_compiler_params():
    cp = pltpu.CompilerParams()
    if "needs_layout_passes" in pltpu.CompilerParams.__dataclass_fields__:
        cp = dataclasses.replace(cp, needs_layout_passes=False)
    return cp


@jax.jit
def _sc_partial_counts(edge_index):
    mesh = plsc.VectorSubcoreMesh(core_axis_name="c", subcore_axis_name="s")

    @functools.partial(
        pl.kernel,
        out_type=jax.ShapeDtypeStruct((NUM_WORKERS, NPAD), jnp.float32),
        mesh=mesh,
        scratch_types=[
            pltpu.VMEM((2, EPW_HI), jnp.int32),
            pltpu.VMEM((NPAD,), jnp.float32),
            pltpu.SemaphoreType.DMA,
        ],
        compiler_params=_sc_compiler_params(),
    )
    def hist_kernel(edge_hbm, out_hbm, idx_vmem, hist_vmem, sem):
        wid = lax.axis_index("c") * NUM_SUBCORES + lax.axis_index("s")
        is_hi = wid < NUM_HI
        start = jnp.where(
            is_hi, wid * EPW_HI, NUM_HI * EPW_HI + (wid - NUM_HI) * EPW_LO
        )
        nchunks = jnp.where(is_hi, CHUNKS_HI, CHUNKS_LO)

        @pl.when(is_hi)
        def _():
            pltpu.make_async_copy(
                edge_hbm.at[:, pl.ds(start, EPW_HI)], idx_vmem, sem
            ).start()

        @pl.when(jnp.logical_not(is_hi))
        def _():
            pltpu.make_async_copy(
                edge_hbm.at[:, pl.ds(start, EPW_LO)],
                idx_vmem.at[:, pl.ds(0, EPW_LO)],
                sem,
            ).start()

        zeros = jnp.zeros((LANES,), jnp.float32)

        @plsc.parallel_loop(0, NPAD // LANES, unroll=8)
        def _(i):
            hist_vmem[pl.ds(i * LANES, LANES)] = zeros

        @pl.when(is_hi)
        def _():
            pltpu.make_async_copy(
                edge_hbm.at[:, pl.ds(start, EPW_HI)], idx_vmem, sem
            ).wait()

        @pl.when(jnp.logical_not(is_hi))
        def _():
            pltpu.make_async_copy(
                edge_hbm.at[:, pl.ds(start, EPW_LO)],
                idx_vmem.at[:, pl.ds(0, EPW_LO)],
                sem,
            ).wait()

        ones = jnp.full((LANES,), 1.0, jnp.float32)
        vecs_per_chunk = CHUNK // LANES

        @plsc.parallel_loop(0, nchunks, unroll=4)
        def _(c):
            for u in range(vecs_per_chunk):
                iv = idx_vmem[0, pl.ds(c * CHUNK + u * LANES, LANES)]
                plsc.addupdate_scatter(hist_vmem, [iv], ones)

        pltpu.sync_copy(hist_vmem, out_hbm.at[wid])

    return hist_kernel(edge_index)


def _tc_fused_body(partial_ref, atom_ref, h_ref, hout_ref, viol_ref):
    counts = jnp.sum(partial_ref[...], axis=0, keepdims=True)
    at = atom_ref[...]
    maxv = jnp.where(
        at == 1, 3.0,
        jnp.where(
            at == 2, 2.0,
            jnp.where(at == 3, 6.0, jnp.where((at >= 4) & (at <= 7), 1.0, 4.0)),
        ),
    ).astype(jnp.float32)
    mask = jnp.maximum(counts - maxv, 0.0)

    i = pl.program_id(0)

    @pl.when(i == 0)
    def _():
        viol_ref[...] = jnp.zeros_like(viol_ref)

    viol_ref[...] += (jnp.sum(mask * mask) / jnp.float32(N)).reshape(1, 1)

    scale = 1.0 - 0.1 * mask
    eye_row = lax.broadcasted_iota(jnp.int32, (D, D), 0)
    eye_col = lax.broadcasted_iota(jnp.int32, (D, D), 1)
    eye = (eye_row == eye_col).astype(jnp.float32)
    blocks = []
    for g in range(BLK // D):
        sg = scale[:, g * D:(g + 1) * D]
        blocks.append(jnp.broadcast_to(sg, (D, D)) * eye)
    dmat = jnp.concatenate(blocks, axis=0)
    smat = jnp.dot(dmat, jnp.ones((D, D), jnp.float32),
                   preferred_element_type=jnp.float32)
    hout_ref[...] = h_ref[...] * smat


@jax.jit
def _tc_finish(partial, h, atom_row):
    grid = NPAD // BLK
    return pl.pallas_call(
        _tc_fused_body,
        grid=(grid,),
        in_specs=[
            pl.BlockSpec((NUM_WORKERS, BLK), lambda i: (0, i)),
            pl.BlockSpec((1, BLK), lambda i: (0, i)),
            pl.BlockSpec((BLK, D), lambda i: (i, 0)),
        ],
        out_specs=[
            pl.BlockSpec((BLK, D), lambda i: (i, 0)),
            pl.BlockSpec((1, 1), lambda i: (0, 0)),
        ],
        out_shape=[
            jax.ShapeDtypeStruct((N, D), jnp.float32),
            jax.ShapeDtypeStruct((1, 1), jnp.float32),
        ],
    )(partial, atom_row, h)


def kernel(h, edge_index, predicted_valences, atom_types):
    del predicted_valences
    partial = _sc_partial_counts(edge_index)
    atom_row = jnp.pad(atom_types, (0, NPAD - N)).reshape(1, NPAD)
    h_out, viol = _tc_finish(partial, h, atom_row)
    return (h_out, viol.reshape(()))

# --- scband reference (transcript-rebuilt; emitter-appended) ---
"""Pipeline reference for scband-valence-constraint-layer-33887291965648 (READ-ONLY COPY).

The authoritative reference and input builder live on the scoring server;
editing this copy changes nothing except your own understanding.
"""

import jax, jax.numpy as jnp
import numpy as np

N = 10000
E = 320000
D = 128


def setup_inputs(seed: int = 0) -> dict:
    key = jax.random.key(seed)
    k1, k2, k3, k4 = jax.random.split(key, 4)
    h = jax.random.normal(k1, (N, D), dtype=jnp.float32)
    edge_index = jax.random.randint(k2, (2, E), 0, N, dtype=jnp.int32)
    predicted_valences = jax.random.uniform(k3, (N,), dtype=jnp.float32)
    atom_types = jax.random.randint(k4, (N,), 0, 11, dtype=jnp.int32)
    return {
        "h": h,
        "edge_index": edge_index,
        "predicted_valences": predicted_valences,
        "atom_types": atom_types,
    }


def reference(h, edge_index, predicted_valences, atom_types):
    # max_valences dict {0:4,1:3,2:2,3:6,4:1,5:1,6:1,7:1,8:4,9:4,10:4}, default 4
    max_val_table = jnp.array([4.0, 3.0, 2.0, 6.0, 1.0, 1.0, 1.0, 1.0, 4.0, 4.0, 4.0], dtype=h.dtype)
    row = edge_index[0]
    # bond_counts.index_add_(0, row, ones(E))  -> segment_sum of ones over dst rows
    bond_counts = jax.ops.segment_sum(
        jnp.ones(row.shape[0], dtype=h.dtype), row, num_segments=h.shape[0]
    )
    # lookup max allowed valence per atom (values outside [0,10] fall back to 4 via clip; table[clip] matches .get default=4 since unseen types map within-range here)
    idx = jnp.clip(atom_types, 0, 10)
    max_allowed = max_val_table[idx]
    # per-node violation = max(bond_count - max_allowed, 0)
    violation_mask = jnp.maximum(bond_counts - max_allowed, 0.0)
    violations = jnp.sum(violation_mask ** 2)
    h_out = h * (1.0 - 0.1 * violation_mask[:, None])
    return (h_out, violations / h.shape[0])

if __name__ == "__main__":
    import jax
    _d = setup_inputs()
    print(jax.jit(kernel)(*tuple(_d.values())))

</pallas_src>

<mosaic_0001>
#map = affine_map<(d0, d1) -> (0, 0)>
module attributes {stable_mosaic.version = 14 : i64} {
  func.func @hist_kernel(%arg0: i32, %arg1: i32, %arg2: memref<2x320000xi32, #tpu.memory_space<hbm>>, %arg3: memref<32x10240xf32, #tpu.memory_space<hbm>>, %arg4: memref<2x10112xi32, #tpu.memory_space<vmem>>, %arg5: memref<10240xf32, #tpu.memory_space<vmem>>, %arg6: memref<!tpu.dma_semaphore, #tpu.memory_space<semaphore_mem>>) attributes {dimension_semantics = [#tpu.dimension_semantics<core_parallel>, #tpu.dimension_semantics<subcore_parallel>], iteration_bounds = array<i64: 2, 16>, scalar_prefetch = 0 : i64, scratch_operands = 3 : i64, tpu.core_type = #tpu.core_type<sc_vector_subcore>, window_params = [{transform_indices = #map}, {transform_indices = #map}]} {
    %mul3A = arith.constant 16 : i32
    %mul3A_0 = arith.muli %arg0, %mul3A : i32
    %add3A = arith.addi %mul3A_0, %arg1 : i32
    %lt3A = arith.constant 4 : i32
    %lt3A_1 = arith.cmpi slt, %add3A, %lt3A : i32
    %mul3A_2 = arith.constant 10112 : i32
    %mul3A_3 = arith.muli %add3A, %mul3A_2 : i32
    %sub3A = arith.constant 4 : i32
    %sub3A_4 = arith.subi %add3A, %sub3A : i32
    %mul3A_5 = arith.constant 9984 : i32
    %mul3A_6 = arith.muli %sub3A_4, %mul3A_5 : i32
    %add3A_7 = arith.constant 40448 : i32
    %add3A_8 = arith.addi %add3A_7, %mul3A_6 : i32
    %select_n3A = arith.select %lt3A_1, %mul3A_3, %add3A_8 : i32
    %jit3A = arith.constant 79 : i32
    %jit3A_9 = arith.constant 78 : i32
    %select_n3A_10 = arith.select %lt3A_1, %jit3A, %jit3A_9 : i32
    %convert_element_type3A = arith.extui %lt3A_1 : i1 to i32
    %cond3A = arith.constant 0 : i32
    %cond3A_11 = arith.cmpi ne, %convert_element_type3A, %cond3A : i32
    scf.if %cond3A_11 {
      %dma_start3A = arith.constant 0 : i32
      %dma_start3A_31 = tpu.memref_slice %arg2[%dma_start3A, %select_n3A] : memref<2x320000xi32, #tpu.memory_space<hbm>> -> memref<2x10112xi32, #tpu.memory_space<hbm>>
      %dma_start3A_32 = arith.constant 0 : i32
      %dma_start3A_33 = tpu.memref_slice %arg2[%dma_start3A_32, %select_n3A] : memref<2x320000xi32, #tpu.memory_space<hbm>> -> memref<2x10112xi32, #tpu.memory_space<hbm>>
      tpu.enqueue_dma source(%dma_start3A_33 : memref<2x10112xi32, #tpu.memory_space<hbm>>) target(%arg4 : memref<2x10112xi32, #tpu.memory_space<vmem>>) target_semaphore(%arg6 : memref<!tpu.dma_semaphore, #tpu.memory_space<semaphore_mem>>)
    } else {
    }
    %not3A = arith.constant true
    %not3A_12 = arith.xori %lt3A_1, %not3A : i1
    %convert_element_type3A_13 = arith.extui %not3A_12 : i1 to i32
    %cond3A_14 = arith.constant 0 : i32
    %cond3A_15 = arith.cmpi ne, %convert_element_type3A_13, %cond3A_14 : i32
    scf.if %cond3A_15 {
      %dma_start3A = arith.constant 0 : i32
      %dma_start3A_31 = arith.constant 0 : i32
      %dma_start3A_32 = tpu.memref_slice %arg4[%dma_start3A, %dma_start3A_31] : memref<2x10112xi32, #tpu.memory_space<vmem>> -> memref<2x9984xi32, #tpu.memory_space<vmem>>
      %dma_start3A_33 = arith.constant 0 : i32
      %dma_start3A_34 = tpu.memref_slice %arg2[%dma_start3A_33, %select_n3A] : memref<2x320000xi32, #tpu.memory_space<hbm>> -> memref<2x9984xi32, #tpu.memory_space<hbm>>
      %dma_start3A_35 = arith.constant 0 : i32
      %dma_start3A_36 = arith.constant 0 : i32
      %dma_start3A_37 = tpu.memref_slice %arg4[%dma_start3A_35, %dma_start3A_36] : memref<2x10112xi32, #tpu.memory_space<vmem>> -> memref<2x9984xi32, #tpu.memory_space<vmem>>
      %dma_start3A_38 = arith.constant 0 : i32
      %dma_start3A_39 = tpu.memref_slice %arg2[%dma_start3A_38, %select_n3A] : memref<2x320000xi32, #tpu.memory_space<hbm>> -> memref<2x9984xi32, #tpu.memory_space<hbm>>
      tpu.enqueue_dma source(%dma_start3A_39 : memref<2x9984xi32, #tpu.memory_space<hbm>>) target(%dma_start3A_37 : memref<2x9984xi32, #tpu.memory_space<vmem>>) target_semaphore(%arg6 : memref<!tpu.dma_semaphore, #tpu.memory_space<semaphore_mem>>)
    } else {
    }
    %broadcast_in_dim3A = arith.constant 0.000000e+00 : f32
    %broadcast_in_dim3A_16 = vector.broadcast %broadcast_in_dim3A : f32 to vector<16xf32>
    %parallel_loop3A = arith.constant 0 : i32
    %parallel_loop3A_17 = arith.constant 640 : i32
    %parallel_loop3A_18 = arith.constant 1 : i32
    scf.for %parallel_loop3A_31 = %parallel_loop3A to %parallel_loop3A_17 step %parallel_loop3A_18  : i32 {
      %parallel_loop3A_32 = arith.constant 16 : i32
      %parallel_loop3A_33 = arith.muli %parallel_loop3A_31, %parallel_loop3A_32 : i32
      %parallel_loop3A_34 = arith.index_cast %parallel_loop3A_33 : i32 to index
      %parallel_loop3A_35 = tpu.vector_load %arg5[%parallel_loop3A_34] {strides = array<i32>} : memref<10240xf32, #tpu.memory_space<vmem>>, vector<16xf32>,
      tpu.vector_store %arg5[%parallel_loop3A_34], %broadcast_in_dim3A_16 {strides = array<i32>} : memref<10240xf32, #tpu.memory_space<vmem>>, vector<16xf32>,
    } {sc.loop_unroll_factor = 8 : i64, sc.parallel_access}
    %convert_element_type3A_19 = arith.extui %lt3A_1 : i1 to i32
    %cond3A_20 = arith.constant 0 : i32
    %cond3A_21 = arith.cmpi ne, %convert_element_type3A_19, %cond3A_20 : i32
    scf.if %cond3A_21 {
      %dma_wait3A = arith.constant 0 : i32
      %dma_wait3A_31 = tpu.memref_slice %arg2[%dma_wait3A, %select_n3A] : memref<2x320000xi32, #tpu.memory_space<hbm>> -> memref<2x10112xi32, #tpu.memory_space<hbm>>
      %dma_wait3A_32 = arith.constant 0 : i32
      %dma_wait3A_33 = tpu.memref_slice %arg2[%dma_wait3A_32, %select_n3A] : memref<2x320000xi32, #tpu.memory_space<hbm>> -> memref<2x10112xi32, #tpu.memory_space<hbm>>
      tpu.wait_dma2 semaphore(%arg6 : memref<!tpu.dma_semaphore, #tpu.memory_space<semaphore_mem>>) src(%dma_wait3A_33 : memref<2x10112xi32, #tpu.memory_space<hbm>>) dst(%arg4 : memref<2x10112xi32, #tpu.memory_space<vmem>>)
    } else {
    }
    %not3A_22 = arith.constant true
    %not3A_23 = arith.xori %lt3A_1, %not3A_22 : i1
    %convert_element_type3A_24 = arith.extui %not3A_23 : i1 to i32
    %cond3A_25 = arith.constant 0 : i32
    %cond3A_26 = arith.cmpi ne, %convert_element_type3A_24, %cond3A_25 : i32
    scf.if %cond3A_26 {
      %dma_wait3A = arith.constant 0 : i32
      %dma_wait3A_31 = arith.constant 0 : i32
      %dma_wait3A_32 = tpu.memref_slice %arg4[%dma_wait3A, %dma_wait3A_31] : memref<2x10112xi32, #tpu.memory_space<vmem>> -> memref<2x9984xi32, #tpu.memory_space<vmem>>
      %dma_wait3A_33 = arith.constant 0 : i32
      %dma_wait3A_34 = tpu.memref_slice %arg2[%dma_wait3A_33, %select_n3A] : memref<2x320000xi32, #tpu.memory_space<hbm>> -> memref<2x9984xi32, #tpu.memory_space<hbm>>
      %dma_wait3A_35 = arith.constant 0 : i32
      %dma_wait3A_36 = arith.constant 0 : i32
      %dma_wait3A_37 = tpu.memref_slice %arg4[%dma_wait3A_35, %dma_wait3A_36] : memref<2x10112xi32, #tpu.memory_space<vmem>> -> memref<2x9984xi32, #tpu.memory_space<vmem>>
      %dma_wait3A_38 = arith.constant 0 : i32
      %dma_wait3A_39 = tpu.memref_slice %arg2[%dma_wait3A_38, %select_n3A] : memref<2x320000xi32, #tpu.memory_space<hbm>> -> memref<2x9984xi32, #tpu.memory_space<hbm>>
      tpu.wait_dma2 semaphore(%arg6 : memref<!tpu.dma_semaphore, #tpu.memory_space<semaphore_mem>>) src(%dma_wait3A_39 : memref<2x9984xi32, #tpu.memory_space<hbm>>) dst(%dma_wait3A_37 : memref<2x9984xi32, #tpu.memory_space<vmem>>)
    } else {
    }
    %broadcast_in_dim3A_27 = arith.constant 1.000000e+00 : f32
    %broadcast_in_dim3A_28 = vector.broadcast %broadcast_in_dim3A_27 : f32 to vector<16xf32>
    %parallel_loop3A_29 = arith.constant 0 : i32
    %parallel_loop3A_30 = arith.constant 1 : i32
    scf.for %parallel_loop3A_31 = %parallel_loop3A_29 to %select_n3A_10 step %parallel_loop3A_30  : i32 {
      %parallel_loop3A_32 = arith.constant 128 : i32
      %parallel_loop3A_33 = arith.muli %parallel_loop3A_31, %parallel_loop3A_32 : i32
      %parallel_loop3A_34 = arith.constant 0 : i32
      %parallel_loop3A_35 = arith.addi %parallel_loop3A_33, %parallel_loop3A_34 : i32
      %parallel_loop3A_36 = arith.constant 0 : i32
      %parallel_loop3A_37 = arith.index_cast %parallel_loop3A_36 : i32 to index
      %parallel_loop3A_38 = arith.index_cast %parallel_loop3A_35 : i32 to index
      %parallel_loop3A_39 = tpu.vector_load %arg4[%parallel_loop3A_37, %parallel_loop3A_38] {strides = array<i32>} : memref<2x10112xi32, #tpu.memory_space<vmem>>, vector<16xi32>,
      tpu.vector_store_idx %arg5[%parallel_loop3A_39], %broadcast_in_dim3A_28 {add = true} : memref<10240xf32, #tpu.memory_space<vmem>>[vector<16xi32>], vector<16xf32>,
      %parallel_loop3A_40 = arith.constant 128 : i32
      %parallel_loop3A_41 = arith.muli %parallel_loop3A_31, %parallel_loop3A_40 : i32
      %parallel_loop3A_42 = arith.constant 16 : i32
      %parallel_loop3A_43 = arith.addi %parallel_loop3A_41, %parallel_loop3A_42 : i32
      %parallel_loop3A_44 = arith.constant 0 : i32
      %parallel_loop3A_45 = arith.index_cast %parallel_loop3A_44 : i32 to index
      %parallel_loop3A_46 = arith.index_cast %parallel_loop3A_43 : i32 to index
      %parallel_loop3A_47 = tpu.vector_load %arg4[%parallel_loop3A_45, %parallel_loop3A_46] {strides = array<i32>} : memref<2x10112xi32, #tpu.memory_space<vmem>>, vector<16xi32>,
      tpu.vector_store_idx %arg5[%parallel_loop3A_47], %broadcast_in_dim3A_28 {add = true} : memref<10240xf32, #tpu.memory_space<vmem>>[vector<16xi32>], vector<16xf32>,
      %parallel_loop3A_48 = arith.constant 128 : i32
      %parallel_loop3A_49 = arith.muli %parallel_loop3A_31, %parallel_loop3A_48 : i32
      %parallel_loop3A_50 = arith.constant 32 : i32
      %parallel_loop3A_51 = arith.addi %parallel_loop3A_49, %parallel_loop3A_50 : i32
      %parallel_loop3A_52 = arith.constant 0 : i32
      %parallel_loop3A_53 = arith.index_cast %parallel_loop3A_52 : i32 to index
      %parallel_loop3A_54 = arith.index_cast %parallel_loop3A_51 : i32 to index
      %parallel_loop3A_55 = tpu.vector_load %arg4[%parallel_loop3A_53, %parallel_loop3A_54] {strides = array<i32>} : memref<2x10112xi32, #tpu.memory_space<vmem>>, vector<16xi32>,
      tpu.vector_store_idx %arg5[%parallel_loop3A_55], %broadcast_in_dim3A_28 {add = true} : memref<10240xf32, #tpu.memory_space<vmem>>[vector<16xi32>], vector<16xf32>,
      %parallel_loop3A_56 = arith.constant 128 : i32
      %parallel_loop3A_57 = arith.muli %parallel_loop3A_31, %parallel_loop3A_56 : i32
      %parallel_loop3A_58 = arith.constant 48 : i32
      %parallel_loop3A_59 = arith.addi %parallel_loop3A_57, %parallel_loop3A_58 : i32
      %parallel_loop3A_60 = arith.constant 0 : i32
      %parallel_loop3A_61 = arith.index_cast %parallel_loop3A_60 : i32 to index
      %parallel_loop3A_62 = arith.index_cast %parallel_loop3A_59 : i32 to index
      %parallel_loop3A_63 = tpu.vector_load %arg4[%parallel_loop3A_61, %parallel_loop3A_62] {strides = array<i32>} : memref<2x10112xi32, #tpu.memory_space<vmem>>, vector<16xi32>,
      tpu.vector_store_idx %arg5[%parallel_loop3A_63], %broadcast_in_dim3A_28 {add = true} : memref<10240xf32, #tpu.memory_space<vmem>>[vector<16xi32>], vector<16xf32>,
      %parallel_loop3A_64 = arith.constant 128 : i32
      %parallel_loop3A_65 = arith.muli %parallel_loop3A_31, %parallel_loop3A_64 : i32
      %parallel_loop3A_66 = arith.constant 64 : i32
      %parallel_loop3A_67 = arith.addi %parallel_loop3A_65, %parallel_loop3A_66 : i32
      %parallel_loop3A_68 = arith.constant 0 : i32
      %parallel_loop3A_69 = arith.index_cast %parallel_loop3A_68 : i32 to index
      %parallel_loop3A_70 = arith.index_cast %parallel_loop3A_67 : i32 to index
      %parallel_loop3A_71 = tpu.vector_load %arg4[%parallel_loop3A_69, %parallel_loop3A_70] {strides = array<i32>} : memref<2x10112xi32, #tpu.memory_space<vmem>>, vector<16xi32>,
      tpu.vector_store_idx %arg5[%parallel_loop3A_71], %broadcast_in_dim3A_28 {add = true} : memref<10240xf32, #tpu.memory_space<vmem>>[vector<16xi32>], vector<16xf32>,
      %parallel_loop3A_72 = arith.constant 128 : i32
      %parallel_loop3A_73 = arith.muli %parallel_loop3A_31, %parallel_loop3A_72 : i32
      %parallel_loop3A_74 = arith.constant 80 : i32
      %parallel_loop3A_75 = arith.addi %parallel_loop3A_73, %parallel_loop3A_74 : i32
      %parallel_loop3A_76 = arith.constant 0 : i32
      %parallel_loop3A_77 = arith.index_cast %parallel_loop3A_76 : i32 to index
      %parallel_loop3A_78 = arith.index_cast %parallel_loop3A_75 : i32 to index
      %parallel_loop3A_79 = tpu.vector_load %arg4[%parallel_loop3A_77, %parallel_loop3A_78] {strides = array<i32>} : memref<2x10112xi32, #tpu.memory_space<vmem>>, vector<16xi32>,
      tpu.vector_store_idx %arg5[%parallel_loop3A_79], %broadcast_in_dim3A_28 {add = true} : memref<10240xf32, #tpu.memory_space<vmem>>[vector<16xi32>], vector<16xf32>,
      %parallel_loop3A_80 = arith.constant 128 : i32
      %parallel_loop3A_81 = arith.muli %parallel_loop3A_31, %parallel_loop3A_80 : i32
      %parallel_loop3A_82 = arith.constant 96 : i32
      %parallel_loop3A_83 = arith.addi %parallel_loop3A_81, %parallel_loop3A_82 : i32
      %parallel_loop3A_84 = arith.constant 0 : i32
      %parallel_loop3A_85 = arith.index_cast %parallel_loop3A_84 : i32 to index
      %parallel_loop3A_86 = arith.index_cast %parallel_loop3A_83 : i32 to index
      %parallel_loop3A_87 = tpu.vector_load %arg4[%parallel_loop3A_85, %parallel_loop3A_86] {strides = array<i32>} : memref<2x10112xi32, #tpu.memory_space<vmem>>, vector<16xi32>,
      tpu.vector_store_idx %arg5[%parallel_loop3A_87], %broadcast_in_dim3A_28 {add = true} : memref<10240xf32, #tpu.memory_space<vmem>>[vector<16xi32>], vector<16xf32>,
      %parallel_loop3A_88 = arith.constant 128 : i32
      %parallel_loop3A_89 = arith.muli %parallel_loop3A_31, %parallel_loop3A_88 : i32
      %parallel_loop3A_90 = arith.constant 112 : i32
      %parallel_loop3A_91 = arith.addi %parallel_loop3A_89, %parallel_loop3A_90 : i32
      %parallel_loop3A_92 = arith.constant 0 : i32
      %parallel_loop3A_93 = arith.index_cast %parallel_loop3A_92 : i32 to index
      %parallel_loop3A_94 = arith.index_cast %parallel_loop3A_91 : i32 to index
      %parallel_loop3A_95 = tpu.vector_load %arg4[%parallel_loop3A_93, %parallel_loop3A_94] {strides = array<i32>} : memref<2x10112xi32, #tpu.memory_space<vmem>>, vector<16xi32>,
      tpu.vector_store_idx %arg5[%parallel_loop3A_95], %broadcast_in_dim3A_28 {add = true} : memref<10240xf32, #tpu.memory_space<vmem>>[vector<16xi32>], vector<16xf32>,
    } {sc.loop_unroll_factor = 4 : i64, sc.parallel_access}
    "tpu.region"() ({
      %run_scoped3A = tpu.sem_alloc : memref<!tpu.dma_semaphore, #tpu.memory_space<semaphore_mem>>
      %dma_start3A = arith.constant 0 : i32
      %dma_start3A_31 = tpu.memref_slice %arg3[%add3A, %dma_start3A] : memref<32x10240xf32, #tpu.memory_space<hbm>> -> memref<1x10240xf32, #tpu.memory_space<hbm>>
      %dma_start3A_32 = tpu.memref_squeeze %dma_start3A_31 : memref<1x10240xf32, #tpu.memory_space<hbm>> -> memref<10240xf32, #tpu.memory_space<hbm>>
      %dma_start3A_33 = arith.constant 0 : i32
      %dma_start3A_34 = tpu.memref_slice %arg3[%add3A, %dma_start3A_33] : memref<32x10240xf32, #tpu.memory_space<hbm>> -> memref<1x10240xf32, #tpu.memory_space<hbm>>
      %dma_start3A_35 = tpu.memref_squeeze %dma_start3A_34 : memref<1x10240xf32, #tpu.memory_space<hbm>> -> memref<10240xf32, #tpu.memory_space<hbm>>
      tpu.enqueue_dma source(%arg5 : memref<10240xf32, #tpu.memory_space<vmem>>) target(%dma_start3A_35 : memref<10240xf32, #tpu.memory_space<hbm>>) target_semaphore(%run_scoped3A : memref<!tpu.dma_semaphore, #tpu.memory_space<semaphore_mem>>)
      %dma_wait3A = arith.constant 0 : i32
      %dma_wait3A_36 = tpu.memref_slice %arg3[%add3A, %dma_wait3A] : memref<32x10240xf32, #tpu.memory_space<hbm>> -> memref<1x10240xf32, #tpu.memory_space<hbm>>
      %dma_wait3A_37 = tpu.memref_squeeze %dma_wait3A_36 : memref<1x10240xf32, #tpu.memory_space<hbm>> -> memref<10240xf32, #tpu.memory_space<hbm>>
      %dma_wait3A_38 = arith.constant 0 : i32
      %dma_wait3A_39 = tpu.memref_slice %arg3[%add3A, %dma_wait3A_38] : memref<32x10240xf32, #tpu.memory_space<hbm>> -> memref<1x10240xf32, #tpu.memory_space<hbm>>
      %dma_wait3A_40 = tpu.memref_squeeze %dma_wait3A_39 : memref<1x10240xf32, #tpu.memory_space<hbm>> -> memref<10240xf32, #tpu.memory_space<hbm>>
      tpu.wait_dma2 semaphore(%run_scoped3A : memref<!tpu.dma_semaphore, #tpu.memory_space<semaphore_mem>>) src(%arg5 : memref<10240xf32, #tpu.memory_space<vmem>>) dst(%dma_wait3A_40 : memref<10240xf32, #tpu.memory_space<hbm>>)
      tpu.yield
    }) : () -> ()
    return
  }
}

</mosaic_0001>

<sc_bundles>
// kernel: _sc_partial_counts.3.cloned.1.call-start
scs
__scs_entry_jumppad:
0x0: {  	(pc) =	sbr.rel $0x88, $3  }
0x1: {  	(tag) =	ssettag $0x0;
	lr =	simm.s32 $0x1  }
0x2: {  	[smem:$0x3FA0] =	sst lr;
	_ =	strace $0xD0000000  }
0x3: {  	_ = 	snop  }
0x4: {  	_ = 	snop  }
0x5: {  	_ = 	snop  }
0x6: {  	_ = 	snop  }
0x7: {  	_ = 	snop  }
__scs_overlays_trampoline_lowered:
0x8: {  	[smem:$0x3FAF] =	sst s0  }
0x9: {  	[smem:$0x3FB0] =	sst s1  }
0xa: {  	[smem:$0x3FB1] =	sst s2  }
0xb: {  	[smem:$0x3FB2] =	sst s3  }
0xc: {  	[smem:$0x3FB3] =	sst s4  }
0xd: {  	[smem:$0x3FB4] =	sst s5  }
0xe: {  	[smem:$0x3FB5] =	sst s6  }
0xf: {  	[smem:$0x3FB6] =	sst s7  }
0x10: {  	[smem:$0x3FB7] =	sst s8  }
0x11: {  	[smem:$0x3FB8] =	sst s9;
	s0 =	simm.s32 @!p0 $0x0  }
0x12: {  	s1 =	sld [smem:$0x3F9E];
	s0 =	simm.s32 @p0 $0x1  }
0x13: {  	[smem:$0x3FB9] =	sst s0;
	s0 =	simm.s32 @!p1 $0x0  }
0x14: {  	s2 =	sld [smem:$0x3F9D];
	s0 =	simm.s32 @p1 $0x1  }
0x15: {  	[smem:$0x3FBA] =	sst s0;
	s0 =	simm.s32 @!p2 $0x0  }
0x16: {  	s3 =	sld [smem:$0x3FDB];
	s0 =	simm.s32 @p2 $0x1  }
0x17: {  	s4 =	simm.s32 $0x1BF5;
	[smem:$0x3FBC] =	sst s0  }
0x18: {  	s0 =	sld [smem:$0x3F9F];
	_ =	swait.ge [sflag:s4], $0x0  }
0x19: {  	s7 =	sld [smem:$0x3FA0]  }
0x1a: {  	s8 =	sadd.s32 $0xFFFFE003, lr  }
0x1b: {  	s9 =	sadd.s32 $0xFFFFFEF7, lr;
	s5 =	simm.s32 $0xFFFFFFFF;
	p2 =	slt.u32 s8, $0xFFFFF086  }
0x1c: {  	p1 =	slt.u32 s9, $0xF7A;
	s5 =	simm.s32 @!p2 $0x0  }
0x1d: {  	s5 =	simm.s32 @p1 $0x1;
	p0 =	seq.s32 s7, s2  }
0x1e: {  	s7 =	smul.u32 @!p0 $0xF7A, s2;
	p2 =	seq.s32 @!p0 s5, $0x0  }
0x1f: {  	s9 =	smul.u32 $0xF7A, s1;
	s8 =	simm.s32 @!p0 $0x1BF5;
	p2 =	por !p2, p0  }
0x20: {  	[sflag:s8] =	ssyncset.s32 @!p0 $0xFFFFF086;
	s6 =	sadd.s32 @!p0 s3, s7;
	s7 =	simm.s32 @!p0 $0x108  }
0x21: {  	s3 =	sadd.s32 s3, s9;
	s6 =	sadd.s32 @!p0 $0x88, s6;
	s7 =	simm.s32 @p2 $0x1082  }
0x22: {  	[simem:s7], [sflag:s8] =	dma.local @!p0 [hbm:s6], $0xF7A  }
0x23: {  	s9 =	sor.u32 $0xD0000000, s2;
	s6 =	simm.s32 $0x108;
	_ =	swait.ge @!p0 [sflag:s8], $0x0  }
0x24: {  	s3 =	sadd.s32 $0x88, s3;
	s6 =	simm.s32 @!p1 $0x1082;
	[sflag:s4] =	ssyncset.s32 $0xFFFFF086  }
0x25: {  	[simem:s6], [sflag:s4] =	dma.local [hbm:s3], $0xF7A  }
0x26: {  	[smem:$0x3FA0] =	sst s1;
	(tag) =	ssettag s2;
	_ =	strace s9  }
0x27: {  	s1 =	sld [smem:$0x3FB0]  }
0x28: {  	s2 =	sld [smem:$0x3FB1]  }
0x29: {  	s4 =	sld [smem:$0x3FB3]  }
0x2a: {  	p0 =	seq.s32 s5, $0x0;
	s5 =	sld [smem:$0x3FB4]  }
0x2b: {  	s6 =	sld [smem:$0x3FB5]  }
0x2c: {  	s7 =	sld [smem:$0x3FB6]  }
0x2d: {  	s3 =	simm.s32 $0x108;
	s8 =	sld [smem:$0x3FB7]  }
0x2e: {  	s3 =	simm.s32 @!p0 $0x1082;
	s9 =	sld [smem:$0x3FB8]  }
0x2f: {  	lr =	sadd.s32 s0, s3;
	s0 =	sld [smem:$0x3FAF]  }
0x30: {  	s3 =	sld [smem:$0x3FB2]  }
0x31: {  	[smem:$0x3FBB] =	sst s10  }
0x32: {  	s10 =	sld [smem:$0x3FB9];
	_ =	sdelay $0x3  }
0x33: {  	p0 =	seq.s32 s10, $0x1;
	s10 =	sld [smem:$0x3FBB];
	_ =	sdelay $0x3  }
0x34: {  	[smem:$0x3FBB] =	sst s10  }
0x35: {  	s10 =	sld [smem:$0x3FBA];
	_ =	sdelay $0x3  }
0x36: {  	p1 =	seq.s32 s10, $0x1;
	s10 =	sld [smem:$0x3FBB];
	_ =	sdelay $0x3  }
0x37: {  	[smem:$0x3FBB] =	sst s10  }
0x38: {  	s10 =	sld [smem:$0x3FBC]  }
0x39: {  	_ = 	snop;
	(pc) =	sbr.ind lr, $3  }
0x3a: {  	_ = 	snop  }
0x3b: {  	_ = 	snop  }
0x3c: {  	p2 =	seq.s32 s10, $0x1;
	s10 =	sld [smem:$0x3FBB]  }
0x3d: {  	_ =	shalt  }
0x3e: {  	_ =	shalt  }
0x3f: {  	_ =	shalt  }
0x40: {  	_ =	shalt  }
0x41: {  	_ =	shalt  }
0x42: {  	_ =	shalt  }
0x43: {  	_ =	shalt  }
0x44: {  	_ =	shalt  }
0x45: {  	_ =	shalt  }
0x46: {  	_ =	shalt  }
0x47: {  	_ =	shalt  }
0x48: {  	_ =	shalt  }
0x49: {  	_ =	shalt  }
0x4a: {  	_ =	shalt  }
0x4b: {  	_ =	shalt  }
0x4c: {  	_ =	shalt  }
0x4d: {  	_ =	shalt  }
0x4e: {  	_ =	shalt  }
0x4f: {  	_ =	shalt  }
0x50: {  	_ =	shalt  }
0x51: {  	_ =	shalt  }
0x52: {  	_ =	shalt  }
0x53: {  	_ =	shalt  }
0x54: {  	_ =	shalt  }
0x55: {  	_ =	shalt  }
0x56: {  	_ =	shalt  }
0x57: {  	_ =	shalt  }
0x58: {  	_ =	shalt  }
0x59: {  	_ =	shalt  }
0x5a: {  	_ =	shalt  }
0x5b: {  	_ =	shalt  }
0x5c: {  	_ =	shalt  }
0x5d: {  	_ =	shalt  }
0x5e: {  	_ =	shalt  }
0x5f: {  	_ =	shalt  }
0x60: {  	_ =	shalt  }
0x61: {  	_ =	shalt  }
0x62: {  	_ =	shalt  }
0x63: {  	_ =	shalt  }
0x64: {  	_ =	shalt  }
0x65: {  	_ =	shalt  }
0x66: {  	_ =	shalt  }
0x67: {  	_ =	shalt  }
0x68: {  	_ =	shalt  }
0x69: {  	_ =	shalt  }
0x6a: {  	_ =	shalt  }
0x6b: {  	_ =	shalt  }
0x6c: {  	_ =	shalt  }
0x6d: {  	_ =	shalt  }
0x6e: {  	_ =	shalt  }
0x6f: {  	_ =	shalt  }
0x70: {  	_ =	shalt  }
0x71: {  	_ =	shalt  }
0x72: {  	_ =	shalt  }
0x73: {  	_ =	shalt  }
0x74: {  	_ =	shalt  }
0x75: {  	_ =	shalt  }
0x76: {  	_ =	shalt  }
0x77: {  	_ =	shalt  }
0x78: {  	_ =	shalt  }
0x79: {  	_ =	shalt  }
0x7a: {  	_ =	shalt  }
0x7b: {  	_ =	shalt  }
0x7c: {  	_ =	shalt  }
0x7d: {  	_ =	shalt  }
0x7e: {  	_ =	shalt  }
0x7f: {  	_ =	shalt  }
0x80: {  	_ =	shalt  }
0x81: {  	_ =	shalt  }
0x82: {  	_ =	shalt  }
0x83: {  	_ =	shalt  }
0x84: {  	_ =	shalt  }
0x85: {  	_ =	shalt  }
0x86: {  	_ =	shalt  }
0x87: {  	_ =	shalt  }
.Lfunc_end0:
.L_simem_size_0:
called_computation_lowered:
.L_overlay_start_0:
0x88: {  	s2 =	sld [smem:$0x3FD9]  }
0x89: {  	s3 =	sld [smem:$0x3FFE];
	_ =	sdelay $0x1  }
0x8a: {  	s1 =	srdreg.scid  }
0x8b: {  	s0 =	sand.u32 $0x1, s1  }
0x8c: {  	s18 =	sshll.u32 s0, $0xA;
	s2 =	sadd.s32 s3, s2  }
0x8d: {  	s2 =	sadd.s32 s2, s18  }
0x8e: {  	[smem:$0x3FC7] =	sst s2  }
0x8f: {  	_ = 	snop  }
0x90: {  	s2 =	sld [smem:$0x3FC9]  }
0x91: {  	s19 =	sld [smem:$0x3FD0];
	(tm) =	ssettm $0x1  }
0x92: {  	s4 =	sld [smem:$0x3FFB];
	_ =	sdelay $0x3  }
0x93: {  	_ =	strace s4  }
0x94: {  	s4 =	sld [smem:$0x3FFC];
	_ =	sdelay $0x3  }
0x95: {  	_ =	strace s4  }
0x96: {  	s4 =	sld [smem:$0x3FFD];
	_ =	sdelay $0x3  }
0x97: {  	_ =	strace s4  }
0x98: {  	_ =	strace $0x8FFFFFFF  }
0x99: {  	s20 =	sld [smem:$0x3FDB];
	_ =	sdelay $0x1  }
0x9a: {  	s5 =	simm.s32 $_scs_section_size  }
0x9b: {  	s6 =	simm.s32 $_size__tile_overlayer_lowered;
	s7 =	simm.s32 $_tile_overlayer_lowered  }
0x9c: {  	s23 =	simm.s32 $0x1BFF;
	s22 =	sshll.u32 s7, $0x1;
	s4 =	sadd.s32 s5, s20  }
0x9d: {  	s8 =	simm.s32 $0x0;
	s21 =	sshll.u32 s6, $0x1;
	s6 =	sadd.s32 s22, s4  }
0x9e: {  	[timem:s8], [sflag:s23] =	dma.local [hbm:s6], s21  }
0x9f: {  	_ =	swait.ge [sflag:s23], s21  }
0xa0: {  	s5 =	ssub.s32 $0x0, s21;
	[sflag:s23] =	ssyncset.done $0x0  }
0xa1: {  	[sflag:s23] =	ssyncadd.s32 s5;
	_ =	sdelay $0x1  }
0xa2: {  	s24 =	simm.s32 $0x1B8B  }
0xa3: {  	_ =	swait.ge [sflag:s24], $0x1  }
0xa4: {  	[sflag:s24] =	ssyncset.done $0x0  }
0xa5: {  	s25 =	simm.s32 $0x1B8E;
	[sflag:s24] =	ssyncadd.s32 $0xFFFFFFFF  }
0xa6: {  	s26 =	simm.s32 $execute0_lowered;
	[smem:$0x3FD2] =	sst s25  }
0xa7: {  	s5 =	sshll.u32 s26, $0x1;
	_ =	strace $0x80000046;
	[dreg:$0x1] =	wrdreg $0xFFFFFFFF  }
0xa8: {  	s28 =	simm.s32 $_size_execute0_lowered;
	s4 =	sadd.s32 s4, s5;
	[dreg:$0x0] =	wrdreg $0x0  }
0xa9: {  	s5 =	sshll.u32 s28, $0x1;
	[dreg:$0x2] =	wrdreg s4  }
0xaa: {  	[dreg:$0x3] =	wrdreg s5  }
0xab: {  	[dreg:$0x4] =	wrdreg $0xC0  }
0xac: {  	_ =	task [dreg:s8], $0x5FFFF  }
0xad: {  	[dreg:$0x1] =	wrdreg $0xFFFFFFFF  }
0xae: {  	[dreg:$0x0] =	wrdreg $0x60  }
0xaf: {  	[dreg:$0x2] =	wrdreg s2  }
0xb0: {  	[dreg:$0x3] =	wrdreg s19  }
0xb1: {  	[dreg:$0x4] =	wrdreg $0x9  }
0xb2: {  	_ =	task.clear_ibuf [dreg:s8], $0x5FFFF;
	_ =	strace $0x90000046  }
0xb3: {  	s29 =	simm.s32 $0x9;
	_ =	strace $0x80000048  }
0xb4: {  	_ =	swait.ge [sflag:s29], $0x1  }
0xb5: {  	[sflag:s29] =	ssyncadd.s32 $0xFFFFFFFF  }
0xb6: {  	_ =	strace $0x90000048  }
0xb7: {  	_ =	sfence  }
0xb8: {  	s30 =	sld [smem:$0x0];
	_ =	sdelay $0x2  }
0xb9: {  	s31 =	sshll.u32 s1, $0xD;
	s1 =	sshrl.u32 s1, $0x2  }
0xba: {  	s3 =	sand.u32 $0x4000, s31;
	s1 =	sadd.s32 s1, s30  }
0xbb: {  	s0 =	sor.u32 s3, s0;
	s1 =	sshll.u32 s1, $0x11  }
0xbc: {  	s0 =	sor.u32 s1, s0  }
0xbd: {  	s0 =	sadd.s32 $0x8F2B, s0  }
0xbe: {  	[sflag:s0] =	ssyncadd.remote.s32 $0x1  }
0xbf: {  	_ =	sfence.sel $0xFFFF  }
0xc0: {  	[dreg:$0x0] =	wrdreg $0xFFFFFFFF;
	(pc) =	sbr.abs _section_cstart, $3  }
0xc1: {  	[dreg:$0x1] =	wrdreg $0xFFFFFFFF  }
0xc2: {  	_ =	task.clear_ibuf [dreg:s8], $0x2FFFF;
	_ =	strace $0x9FFFFFFF  }
0xc3: {  	(tm) =	ssettm $0x7FFFFFFF  }
tec
execute0_lowered:
.L_overlay_start_1:
0x0: {  	(tag) =	ssettag $0x1  }
0x1: {  	s4 =	rddreg [dreg:$0x0]  }
0x2: {  	s6 =	rddreg [dreg:$0x1]  }
0x3: {  	s1 =	srdreg.scid;
	s0 =	rddreg [dreg:$0x2];
	s2 =	simm.s32 $0x0  }
0x4: {  	s11 =	simm.s32 $0x2;
	s3 =	sand.u32 $0x1, s1;
	[smem:$0x7FF] =	sst s2  }
0x5: {  	s1 =	stileid.u32;
	s5 =	ssub.s32 $0x2, s3;
	s3 =	sshll.u32 s3, $0x4  }
0x6: {  	_ =	strace $0x80000047;
	s9 =	sshll.u32 s1, $0x7;
	s10 =	smul.u32 $0x9E0, s1  }
0x7: {  	s7 =	sshrl.u32 s5, $0x1;
	s3 =	sor.u32 s1, s3;
	s9 =	sand.u32 $0x380, s9  }
0x8: {  	s7 =	ssub.s32 s5, s7;
	s31 =	smul.u32 $0x2700, s3;
	s8 =	sshrl.u32 s3, $0x3  }
0x9: {  	p0 =	sgt.u32 s3, $0x3;
	s3 =	simm.s32 $0x800;
	s8 =	smul.u32 $0x14000, s8  }
0xa: {  	s3 =	simm.s32 @!p0 $0xC00;
	s7 =	smax.u32 s7, $0x1;
	s5 =	sshrl.u32 s31, $0x2  }
0xb: {  	s5 =	sadd.s32 s4, s5;
	s8 =	sor.u32 s9, s8;
	s4 =	sadd.s32 s4, s10  }
0xc: {  	s9 =	simm.s32 $0x80;
	s10 =	simm.s32 $0x400;
	s8 =	sshrl.u32 s8, $0x3  }
0xd: {  	v0 =	vimm.f32 $0.0e+00;
	v1 =	vimm.f32 $1.000000000e+00;
	s5 =	sadd.s32 $0x80, s5;
	s6 =	sadd.s32 s6, s8;
	s8 =	simm.s32 $0x4F00  }
.LBB2_1:
0xe: {  	s12 =	simm.s32 @p0 $0x0  }
0xf: {  	[tilespmem:s12], [sflag:$0x1] =	stream.linear.gather @p0 [hbm4b:s5+s12], $0x4E00, $0x38;
	[tilespmem:$0x7700] =	vst v63  }
0x10: {  	s12 =	simm.s32 @!p0 $0x0  }
0x11: {  	[tilespmem:s12], [sflag:$0x1] =	stream.linear.gather @!p0 [hbm4b:s4+s12], $0x4F00, $0x38;
	[tilespmem:$0x7700] =	vst v63  }
0x12: {  	s12 =	simm.s32 $0x4F40  }
0x13: {  	[tilespmem:s12+$0xFFFFFFC0] =	vst v0  }
0x14: {  	[tilespmem:s12+$0x30] =	vst v0  }
0x15: {  	[tilespmem:s12+$0x20] =	vst v0  }
0x16: {  	[tilespmem:s12+$0x10] =	vst v0  }
0x17: {  	[tilespmem:s12+$0x0] =	vst v0  }
0x18: {  	[tilespmem:s12+$0xFFFFFFF0] =	vst v0  }
0x19: {  	s13 =	simm.s32 $0x0;
	[tilespmem:s12+$0xFFFFFFE0] =	vst v0  }
.LBB2_2:
0x1a: {  	s13 =	sadd.s32 $0x8, s13;
	[tilespmem:s12+$0xFFFFFFD0] =	vst v0;
	s12 =	sadd.s32 $0x80, s12  }
0x1b: {  	[tilespmem:s12+$0xFFFFFFC0] =	vst v0;
	p1 =	slt.u32 s13, $0x278  }
0x1c: {  	[tilespmem:s12+$0x30] =	vst v0  }
.Ltmp0:
0x1d: {  	[tilespmem:s12+$0x20] =	vst v0;
	(pc) =	sbr.rel @p1 .LBB2_2-.Ltmp0, $4  }
0x1e: {  	[tilespmem:s12+$0x10] =	vst v0  }
0x1f: {  	[tilespmem:s12+$0x0] =	vst v0  }
0x20: {  	[tilespmem:s12+$0xFFFFFFF0] =	vst v0  }
0x21: {  	[tilespmem:s12+$0xFFFFFFE0] =	vst v0  }
0x22: {  	[tilespmem:s12+$0xFFFFFFD0] =	vst v0;
	s12 =	simm.s32 @p0 $0x1  }
0x23: {  	_ =	swait.ge @p0 [sflag:s12], $0x4E00  }
0x24: {  	[sflag:s12] =	ssyncset.done @p0 $0x0  }
0x25: {  	[sflag:s12] =	ssyncadd.s32 @p0 $0xFFFFB200;
	s12 =	simm.s32 @!p0 $0x1  }
0x26: {  	_ =	swait.ge @!p0 [sflag:s12], $0x4F00  }
0x27: {  	[sflag:s12] =	ssyncset.done @!p0 $0x0  }
0x28: {  	[sflag:s12] =	ssyncadd.s32 @!p0 $0xFFFFB100;
	s12 =	simm.s32 $0x200  }
0x29: {  	v2 =	vld [tilespmem:s12+$0x100];
	_ =	sdelay $0x3  }
0x2a: {  	v3 =	vld [tilespmem:s12+$0xFFFFFF00]  }
0x2b: {  	v4 =	vld [tilespmem:s12+$0xFFFFFE00];
	_ =	sdelay $0x2  }
0x2c: {  	[tilespmem:v2+s8+$0x0] =	vst.idx.add.f32.msk $0xffff, v1  }
0x2d: {  	v2 =	vld [tilespmem:s12+$0x110];
	_ =	sdelay $0x1  }
0x2e: {  	v5 =	vld [tilespmem:s12+$0x0]  }
0x2f: {  	[tilespmem:v3+s8+$0x0] =	vst.idx.add.f32.msk $0xffff, v1  }
0x30: {  	[tilespmem:v4+s8+$0x0] =	vst.idx.add.f32.msk $0xffff, v1  }
0x31: {  	v3 =	vld [tilespmem:s12+$0xFFFFFE10]  }
0x32: {  	v4 =	vld [tilespmem:s12+$0xFFFFFF10];
	_ =	sdelay $0x1  }
0x33: {  	[tilespmem:v2+s8+$0x0] =	vst.idx.add.f32.msk $0xffff, v1  }
0x34: {  	v2 =	vld [tilespmem:s12+$0x120]  }
0x35: {  	[tilespmem:v5+s8+$0x0] =	vst.idx.add.f32.msk $0xffff, v1  }
0x36: {  	v5 =	vld [tilespmem:s12+$0x10];
	_ =	sdelay $0x1  }
0x37: {  	[tilespmem:v3+s8+$0x0] =	vst.idx.add.f32.msk $0xffff, v1  }
0x38: {  	[tilespmem:v4+s8+$0x0] =	vst.idx.add.f32.msk $0xffff, v1  }
0x39: {  	v3 =	vld [tilespmem:s12+$0xFFFFFE20]  }
0x3a: {  	v4 =	vld [tilespmem:s12+$0xFFFFFF20]  }
0x3b: {  	[tilespmem:v2+s8+$0x0] =	vst.idx.add.f32.msk $0xffff, v1  }
0x3c: {  	v2 =	vld [tilespmem:s12+$0x130]  }
0x3d: {  	[tilespmem:v5+s8+$0x0] =	vst.idx.add.f32.msk $0xffff, v1  }
0x3e: {  	v5 =	vld [tilespmem:s12+$0x20];
	_ =	sdelay $0x2  }
0x3f: {  	[tilespmem:v3+s8+$0x0] =	vst.idx.add.f32.msk $0xffff, v1  }
0x40: {  	[tilespmem:v4+s8+$0x0] =	vst.idx.add.f32.msk $0xffff, v1  }
0x41: {  	v3 =	vld [tilespmem:s12+$0xFFFFFE30]  }
0x42: {  	[tilespmem:v2+s8+$0x0] =	vst.idx.add.f32.msk $0xffff, v1  }
0x43: {  	v2 =	vld [tilespmem:s12+$0x140]  }
0x44: {  	[tilespmem:v5+s8+$0x0] =	vst.idx.add.f32.msk $0xffff, v1  }
0x45: {  	v4 =	vld [tilespmem:s12+$0xFFFFFF30]  }
0x46: {  	v5 =	vld [tilespmem:s12+$0x30];
	_ =	sdelay $0x2  }
0x47: {  	[tilespmem:v3+s8+$0x0] =	vst.idx.add.f32.msk $0xffff, v1  }
0x48: {  	v3 =	vld [tilespmem:s12+$0xFFFFFE40]  }
0x49: {  	[tilespmem:v2+s8+$0x0] =	vst.idx.add.f32.msk $0xffff, v1  }
0x4a: {  	v2 =	vld [tilespmem:s12+$0x150]  }
0x4b: {  	[tilespmem:v4+s8+$0x0] =	vst.idx.add.f32.msk $0xffff, v1  }
0x4c: {  	[tilespmem:v5+s8+$0x0] =	vst.idx.add.f32.msk $0xffff, v1  }
0x4d: {  	v4 =	vld [tilespmem:s12+$0xFFFFFF40]  }
0x4e: {  	v5 =	vld [tilespmem:s12+$0x40];
	_ =	sdelay $0x1  }
0x4f: {  	[tilespmem:v3+s8+$0x0] =	vst.idx.add.f32.msk $0xffff, v1  }
0x50: {  	v6 =	vld [tilespmem:s12+$0xFFFFFE50]  }
0x51: {  	[tilespmem:v2+s8+$0x0] =	vst.idx.add.f32.msk $0xffff, v1  }
0x52: {  	v7 =	vld [tilespmem:s12+$0x160];
	_ =	sdelay $0x1  }
0x53: {  	[tilespmem:v4+s8+$0x0] =	vst.idx.add.f32.msk $0xffff, v1  }
0x54: {  	[tilespmem:v5+s8+$0x0] =	vst.idx.add.f32.msk $0xffff, v1  }
0x55: {  	v3 =	vld [tilespmem:s12+$0xFFFFFF50]  }
0x56: {  	v4 =	vld [tilespmem:s12+$0x50]  }
0x57: {  	[tilespmem:v6+s8+$0x0] =	vst.idx.add.f32.msk $0xffff, v1  }
0x58: {  	v2 =	vld [tilespmem:s12+$0xFFFFFE60]  }
0x59: {  	[tilespmem:v7+s8+$0x0] =	vst.idx.add.f32.msk $0xffff, v1  }
0x5a: {  	s13 =	simm.s32 $0x0;
	s14 =	simm.s32 $0x600;
	v5 =	vld [tilespmem:s12+$0x170]  }
.LBB2_4:
0x5b: {  	v6 =	vld [tilespmem:s14+$0x100];
	s13 =	sadd.s32 $0x4, s13  }
0x5c: {  	v7 =	vld [tilespmem:s14+$0xFFFFFF00];
	p1 =	slt.u32 s13, $0x48  }
0x5d: {  	v8 =	vld [tilespmem:s14+$0x0]  }
0x5e: {  	v9 =	vld [tilespmem:s14+$0xFFFFFE00]  }
0x5f: {  	[tilespmem:v3+s8+$0x0] =	vst.idx.add.f32.msk $0xffff, v1  }
0x60: {  	[tilespmem:v4+s8+$0x0] =	vst.idx.add.f32.msk $0xffff, v1  }
0x61: {  	v3 =	vld [tilespmem:s12+$0xFFFFFF60]  }
0x62: {  	[tilespmem:v5+s8+$0x0] =	vst.idx.add.f32.msk $0xffff, v1  }
0x63: {  	[tilespmem:v6+s8+$0x0] =	vst.idx.add.f32.msk $0xffff, v1  }
0x64: {  	v4 =	vld [tilespmem:s14+$0x110]  }
0x65: {  	[tilespmem:v7+s8+$0x0] =	vst.idx.add.f32.msk $0xffff, v1  }
0x66: {  	[tilespmem:v9+s8+$0x0] =	vst.idx.add.f32.msk $0xffff, v1  }
0x67: {  	[tilespmem:v8+s8+$0x0] =	vst.idx.add.f32.msk $0xffff, v1  }
0x68: {  	v5 =	vld [tilespmem:s14+$0xFFFFFE10]  }
0x69: {  	v6 =	vld [tilespmem:s14+$0xFFFFFF10]  }
0x6a: {  	v7 =	vld [tilespmem:s14+$0x10]  }
0x6b: {  	v8 =	vld [tilespmem:s12+$0x60]  }
0x6c: {  	[tilespmem:v4+s8+$0x0] =	vst.idx.add.f32.msk $0xffff, v1  }
0x6d: {  	v4 =	vld [tilespmem:s14+$0x120]  }
0x6e: {  	[tilespmem:v2+s8+$0x0] =	vst.idx.add.f32.msk $0xffff, v1  }
0x6f: {  	[tilespmem:v3+s8+$0x0] =	vst.idx.add.f32.msk $0xffff, v1  }
0x70: {  	[tilespmem:v5+s8+$0x0] =	vst.idx.add.f32.msk $0xffff, v1  }
0x71: {  	[tilespmem:v6+s8+$0x0] =	vst.idx.add.f32.msk $0xffff, v1  }
0x72: {  	[tilespmem:v7+s8+$0x0] =	vst.idx.add.f32.msk $0xffff, v1  }
0x73: {  	v2 =	vld [tilespmem:s14+$0xFFFFFE20]  }
0x74: {  	v3 =	vld [tilespmem:s14+$0xFFFFFF20]  }
0x75: {  	[tilespmem:v4+s8+$0x0] =	vst.idx.add.f32.msk $0xffff, v1  }
0x76: {  	v4 =	vld [tilespmem:s14+$0x130]  }
0x77: {  	v5 =	vld [tilespmem:s14+$0x20]  }
0x78: {  	[tilespmem:v8+s8+$0x0] =	vst.idx.add.f32.msk $0xffff, v1  }
0x79: {  	v6 =	vld [tilespmem:s12+$0xFFFFFE70]  }
0x7a: {  	v7 =	vld [tilespmem:s12+$0xFFFFFF70]  }
0x7b: {  	[tilespmem:v2+s8+$0x0] =	vst.idx.add.f32.msk $0xffff, v1  }
0x7c: {  	[tilespmem:v3+s8+$0x0] =	vst.idx.add.f32.msk $0xffff, v1  }
0x7d: {  	v2 =	vld [tilespmem:s14+$0xFFFFFE30]  }
0x7e: {  	[tilespmem:v4+s8+$0x0] =	vst.idx.add.f32.msk $0xffff, v1  }
0x7f: {  	v3 =	vld [tilespmem:s14+$0x140]  }
0x80: {  	[tilespmem:v5+s8+$0x0] =	vst.idx.add.f32.msk $0xffff, v1  }
0x81: {  	v4 =	vld [tilespmem:s14+$0xFFFFFF30]  }
0x82: {  	v5 =	vld [tilespmem:s14+$0x30]  }
0x83: {  	v8 =	vld [tilespmem:s12+$0x70];
	s12 =	smov.u32 s14  }
0x84: {  	[tilespmem:v6+s8+$0x0] =	vst.idx.add.f32.msk $0xffff, v1  }
0x85: {  	[tilespmem:v2+s8+$0x0] =	vst.idx.add.f32.msk $0xffff, v1  }
0x86: {  	v2 =	vld [tilespmem:s14+$0xFFFFFE40]  }
0x87: {  	[tilespmem:v3+s8+$0x0] =	vst.idx.add.f32.msk $0xffff, v1  }
0x88: {  	v3 =	vld [tilespmem:s14+$0x150]  }
0x89: {  	[tilespmem:v4+s8+$0x0] =	vst.idx.add.f32.msk $0xffff, v1  }
0x8a: {  	[tilespmem:v5+s8+$0x0] =	vst.idx.add.f32.msk $0xffff, v1  }
0x8b: {  	v4 =	vld [tilespmem:s14+$0xFFFFFF40]  }
0x8c: {  	v5 =	vld [tilespmem:s14+$0x40]  }
0x8d: {  	[tilespmem:v7+s8+$0x0] =	vst.idx.add.f32.msk $0xffff, v1  }
0x8e: {  	[tilespmem:v2+s8+$0x0] =	vst.idx.add.f32.msk $0xffff, v1  }
0x8f: {  	v2 =	vld [tilespmem:s14+$0xFFFFFE50]  }
0x90: {  	[tilespmem:v3+s8+$0x0] =	vst.idx.add.f32.msk $0xffff, v1  }
0x91: {  	v6 =	vld [tilespmem:s14+$0x160]  }
0x92: {  	[tilespmem:v8+s8+$0x0] =	vst.idx.add.f32.msk $0xffff, v1  }
0x93: {  	[tilespmem:v4+s8+$0x0] =	vst.idx.add.f32.msk $0xffff, v1  }
0x94: {  	[tilespmem:v5+s8+$0x0] =	vst.idx.add.f32.msk $0xffff, v1  }
0x95: {  	v3 =	vld [tilespmem:s14+$0xFFFFFF50]  }
.Ltmp1:
0x96: {  	v4 =	vld [tilespmem:s14+$0x50];
	(pc) =	sbr.rel @p1 .LBB2_4-.Ltmp1, $4  }
0x97: {  	[tilespmem:v2+s8+$0x0] =	vst.idx.add.f32.msk $0xffff, v1  }
0x98: {  	v2 =	vld [tilespmem:s14+$0xFFFFFE60]  }
0x99: {  	[tilespmem:v6+s8+$0x0] =	vst.idx.add.f32.msk $0xffff, v1  }
0x9a: {  	s14 =	sadd.s32 $0x400, s14;
	v5 =	vld [tilespmem:s12+$0x170]  }
0x9b: {  	_ =	sdelay $0x3  }
0x9c: {  	[tilespmem:v3+s8+$0x0] =	vst.idx.add.f32.msk $0xffff, v1  }
0x9d: {  	[tilespmem:v4+s8+$0x0] =	vst.idx.add.f32.msk $0xffff, v1  }
0x9e: {  	v3 =	vld [tilespmem:s12+$0xFFFFFF60]  }
0x9f: {  	v4 =	vld [tilespmem:s12+$0x60];
	_ =	sdelay $0x4  }
0xa0: {  	[tilespmem:v2+s8+$0x0] =	vst.idx.add.f32.msk $0xffff, v1  }
0xa1: {  	v2 =	vld [tilespmem:s12+$0xFFFFFE70]  }
0xa2: {  	[tilespmem:v3+s8+$0x0] =	vst.idx.add.f32.msk $0xffff, v1  }
0xa3: {  	[tilespmem:v4+s8+$0x0] =	vst.idx.add.f32.msk $0xffff, v1  }
0xa4: {  	v3 =	vld [tilespmem:s12+$0xFFFFFF70]  }
0xa5: {  	v4 =	vld [tilespmem:s12+$0x70];
	_ =	sdelay $0x4  }
0xa6: {  	[tilespmem:v5+s8+$0x0] =	vst.idx.add.f32.msk $0xffff, v1  }
0xa7: {  	[tilespmem:v2+s8+$0x0] =	vst.idx.add.f32.msk $0xffff, v1  }
0xa8: {  	[tilespmem:v3+s8+$0x0] =	vst.idx.add.f32.msk $0xffff, v1  }
0xa9: {  	s12 =	simm.s32 $0x0;
	[tilespmem:v4+s8+$0x0] =	vst.idx.add.f32.msk $0xffff, v1  }
.LBB2_6:
0xaa: {  	s13 =	sshra.s32 s12, $0x2  }
0xab: {  	v2 =	vld [tilespmem:s13+$0x4C00];
	_ =	sdelay $0x7  }
0xac: {  	[tilespmem:v2+s8+$0x0] =	vst.idx.add.f32.msk $0xffff, v1  }
0xad: {  	v2 =	vld [tilespmem:s13+$0x4C10];
	_ =	sdelay $0x7  }
0xae: {  	[tilespmem:v2+s8+$0x0] =	vst.idx.add.f32.msk $0xffff, v1  }
0xaf: {  	v2 =	vld [tilespmem:s13+$0x4C20];
	_ =	sdelay $0x7  }
0xb0: {  	[tilespmem:v2+s8+$0x0] =	vst.idx.add.f32.msk $0xffff, v1  }
0xb1: {  	v2 =	vld [tilespmem:s13+$0x4C30];
	_ =	sdelay $0x7  }
0xb2: {  	[tilespmem:v2+s8+$0x0] =	vst.idx.add.f32.msk $0xffff, v1  }
0xb3: {  	v2 =	vld [tilespmem:s13+$0x4C40];
	_ =	sdelay $0x7  }
0xb4: {  	[tilespmem:v2+s8+$0x0] =	vst.idx.add.f32.msk $0xffff, v1  }
0xb5: {  	v2 =	vld [tilespmem:s13+$0x4C50];
	_ =	sdelay $0x7  }
0xb6: {  	[tilespmem:v2+s8+$0x0] =	vst.idx.add.f32.msk $0xffff, v1  }
0xb7: {  	v2 =	vld [tilespmem:s13+$0x4C60];
	_ =	sdelay $0x7  }
0xb8: {  	[tilespmem:v2+s8+$0x0] =	vst.idx.add.f32.msk $0xffff, v1  }
0xb9: {  	v2 =	vld [tilespmem:s13+$0x4C70];
	_ =	sdelay $0x1  }
0xba: {  	s12 =	sadd.s32 $0x400, s12  }
0xbb: {  	p1 =	sne.s32 s3, s12  }
.Ltmp2:
0xbc: {  	_ = 	snop;
	(pc) =	sbr.rel @p1 .LBB2_6-.Ltmp2, $2  }
0xbd: {  	_ =	sdelay $0x2  }
0xbe: {  	[tilespmem:v2+s8+$0x0] =	vst.idx.add.f32.msk $0xffff, v1  }
0xbf: {  	s2 =	sadd.s32 $0x1, s2  }
0xc0: {  	p1 =	sne.s32 s2, s7  }
.Ltmp3:
0xc1: {  	_ = 	snop;
	(pc) =	sbr.rel @p1 .LBB2_1-.Ltmp3, $4  }
0xc2: {  	[hbm4b:s6+s9] =	stream.strided.scatter [tilespmem:s8], [sflag:$0x2], $0x2800, s10, s9, $0x38;
	[tilespmem:$0x7700] =	vst v63  }
0xc3: {  	_ =	swait.ge [sflag:s11], $0x2800  }
0xc4: {  	[sflag:s11] =	ssyncset.done $0x0  }
0xc5: {  	[sflag:s11] =	ssyncadd.s32 $0xFFFFD800  }
0xc6: {  	_ =	sfence.sel $0x180000  }
0xc7: {  	[bflag:$0x0] =	sbarrier.arrive $0xFFFF  }
0xc8: {  	p0 =	sne.s32 s1, $0x0;
	_ =	strace $0x90000047  }
0xc9: {  	s0 =	sadd.s32 @!p0 $0x100000, s0;
	[bflag:$0x2] =	sbarrier.arrive $0xFFFF  }
0xca: {  	[sflag:s0] =	ssyncadd.tile.s32 @!p0 $0x1;
	_ =	shalt  }
.Lfunc_end2:
_tile_overlayer_lowered:
.L_overlay_start_2:
0xcb: {  	(tag) =	ssettag $0x2  }
0xcc: {  	s0 =	rddreg [dreg:$0x0];
	s2 =	stileid.u32  }
0xcd: {  	s1 =	rddreg [dreg:$0x1];
	p0 =	sne.s32 s2, $0x0  }
0xce: {  	s3 =	rddreg [dreg:$0x2];
	[bflag:$0x3] =	sbarrier.arrive $0xFFFF;
	s2 =	simm.s32 @!p0 $0x1C02  }
0xcf: {  	[timem:s3], [sflag:s2] =	dma.local @!p0 [hbm:s0], s1  }
0xd0: {  	s0 =	simm.s32 @!p0 $0x2  }
0xd1: {  	_ =	swait.ge @!p0 [sflag:s0], s1  }
0xd2: {  	s1 =	ssub.s32 @!p0 $0x0, s1;
	[sflag:s0] =	ssyncset.done @!p0 $0x0  }
0xd3: {  	[sflag:s0] =	ssyncadd.s32 @!p0 s1  }
0xd4: {  	[bflag:$0x3] =	sbarrier.arrive $0xFFFF  }
0xd5: {  	_ =	shalt  }

</sc_bundles>
